<compile_context>
chip_gen: v7x
topology: tpu7x:2x2x1
jax: 0.10.2.dev20260603
libtpu: 0.0.44.dev20260713+nightly
codegen_flags: <defaults>
</compile_context>

<pallas_src>
import functools
import jax
import jax.numpy as jnp
from jax import lax
from jax.experimental import pallas as pl
from jax.experimental.pallas import tpu as pltpu
from jax.experimental.pallas import tpu_sc as plsc

_N, _P, _D = 4, 4096, 3
_NW = 32
_SPW = (_N * _P) // _NW
_WPB = _P // _SPW
_L = 16

_GDN = lax.GatherDimensionNumbers(
    offset_dims=(), collapsed_slice_dims=(0,), start_index_map=(0,))


def _lane_bcast(v, j):
    jv = jnp.full((_L, 1), j, jnp.int32)
    return lax.gather(v, jv, _GDN, (1,),
                      mode=lax.GatherScatterMode.PROMISE_IN_BOUNDS)


def _lane_min(v):
    iota = lax.iota(jnp.int32, _L)
    for k in (8, 4, 2, 1):
        perm = (iota ^ k).reshape(_L, 1)
        v = jnp.minimum(
            v, lax.gather(v, perm, _GDN, (1,),
                          mode=lax.GatherScatterMode.PROMISE_IN_BOUNDS))
    return v


def _bf16_round(v):
    c = v * jnp.float32(65537.0)
    return c - (c - v)


def _chamfer_sc(src_hbm, tgt_hbm, out_hbm,
                tx_v, ty_v, tz_v, y2_v,
                sx_v, sy_v, sz_v, x2_v, res_v, sem):
    wid = lax.axis_index("s") * 2 + lax.axis_index("c")
    b = wid // _WPB
    s0 = (wid % _WPB) * _SPW

    tb = b * (3 * _P)
    pltpu.sync_copy(tgt_hbm.at[pl.ds(tb, _P)], tx_v)
    pltpu.sync_copy(tgt_hbm.at[pl.ds(tb + _P, _P)], ty_v)
    pltpu.sync_copy(tgt_hbm.at[pl.ds(tb + 2 * _P, _P)], tz_v)
    pltpu.sync_copy(src_hbm.at[pl.ds(tb + s0, _SPW)], sx_v)
    pltpu.sync_copy(src_hbm.at[pl.ds(tb + _P + s0, _SPW)], sy_v)
    pltpu.sync_copy(src_hbm.at[pl.ds(tb + 2 * _P + s0, _SPW)], sz_v)

    def stage_tgt(q, _):
        sl = pl.ds(q * _L, _L)
        tx, ty, tz = tx_v[sl], ty_v[sl], tz_v[sl]
        y2_v[sl] = tx * tx + ty * ty + tz * tz
        tx_v[sl] = _bf16_round(tx)
        ty_v[sl] = _bf16_round(ty)
        tz_v[sl] = _bf16_round(tz)
        return _

    lax.fori_loop(0, _P // _L, stage_tgt, 0)

    def stage_src(i, _):
        sl = pl.ds(i * _L, _L)
        sx, sy, sz = sx_v[sl], sy_v[sl], sz_v[sl]
        x2_v[sl] = sx * sx + sy * sy + sz * sz
        sx_v[sl] = _bf16_round(sx)
        sy_v[sl] = _bf16_round(sy)
        sz_v[sl] = _bf16_round(sz)
        return _

    lax.fori_loop(0, _SPW // _L, stage_src, 0)

    def per_chunk(i0, total):
        sl = pl.ds(i0 * _L, _L)
        sxv, syv, szv, x2v = sx_v[sl], sy_v[sl], sz_v[sl], x2_v[sl]

        def per_point(j, tot):
            sx = _lane_bcast(sxv, j)
            sy = _lane_bcast(syv, j)
            sz = _lane_bcast(szv, j)
            x2 = _lane_bcast(x2v, j)

            def per_tgt(q, acc):
                qsl = pl.ds(q * _L, _L)
                d = ((x2 + y2_v[qsl])
                     - 2.0 * (sx * tx_v[qsl] + sy * ty_v[qsl]
                              + sz * tz_v[qsl]))
                return jnp.minimum(acc, d)

            acc = lax.fori_loop(0, _P // _L, per_tgt,
                                jnp.full((_L,), jnp.inf, jnp.float32))
            return tot + _lane_min(acc)

        return lax.fori_loop(0, _L, per_point, total)

    total = lax.fori_loop(0, _SPW // _L, per_chunk,
                          jnp.zeros((_L,), jnp.float32))

    res_v[...] = jnp.where(lax.iota(jnp.int32, _L) == 0, total, 0.0)
    pltpu.sync_copy(res_v, out_hbm.at[wid])


def kernel(source_cloud, target_cloud):
    src_t = source_cloud.transpose(0, 2, 1).reshape(-1)
    tgt_t = target_cloud.transpose(0, 2, 1).reshape(-1)
    mesh = plsc.VectorSubcoreMesh(core_axis_name="c", subcore_axis_name="s")
    k = functools.partial(
        pl.kernel, mesh=mesh,
        out_type=jax.ShapeDtypeStruct((_NW, _L), jnp.float32),
        scratch_types=[
            pltpu.VMEM((_P,), jnp.float32),
            pltpu.VMEM((_P,), jnp.float32),
            pltpu.VMEM((_P,), jnp.float32),
            pltpu.VMEM((_P,), jnp.float32),
            pltpu.VMEM((_SPW,), jnp.float32),
            pltpu.VMEM((_SPW,), jnp.float32),
            pltpu.VMEM((_SPW,), jnp.float32),
            pltpu.VMEM((_SPW,), jnp.float32),
            pltpu.VMEM((_L,), jnp.float32),
            pltpu.SemaphoreType.DMA,
        ],
    )(_chamfer_sc)
    partial_sums = k(src_t, tgt_t)
    return jnp.sum(partial_sums) * (1.0 / _N)

# --- scband reference (transcript-rebuilt; emitter-appended) ---
"""Pipeline reference for scband-chamfer-distance-11261404250604 (READ-ONLY COPY).

The authoritative reference and input builder live on the scoring server;
editing this copy changes nothing except your own understanding.
"""

import jax, jax.numpy as jnp
import numpy as np


def setup_inputs(seed: int = 0) -> dict:
    key = jax.random.key(seed)
    k1, k2 = jax.random.split(key)
    source_cloud = jax.random.normal(k1, (4, 4096, 3), dtype=jnp.float32)
    target_cloud = jax.random.normal(k2, (4, 4096, 3), dtype=jnp.float32)
    return {"source_cloud": source_cloud, "target_cloud": target_cloud}


def reference(source_cloud, target_cloud):
    # ChamferDistance.forward with defaults: bidirectional=False, reverse=False,
    # batch_reduction='mean', point_reduction='sum'.
    # single_directional = not bidirectional = True -> only x->y direction.
    # knn_points with norm=2 returns SQUARED L2 distance to nearest neighbor.
    N = source_cloud.shape[0]
    x2 = jnp.sum(source_cloud * source_cloud, axis=-1)            # (N, P1)
    y2 = jnp.sum(target_cloud * target_cloud, axis=-1)            # (N, P2)
    xy = jnp.einsum('npd,nqd->npq', source_cloud, target_cloud)   # (N, P1, P2)
    d = x2[:, :, None] + y2[:, None, :] - 2.0 * xy                # squared L2 (N, P1, P2)
    cham_x = jnp.min(d, axis=2)                                   # (N, P1) nearest-neighbor dist
    per_batch = jnp.sum(cham_x, axis=1)                           # point_reduction='sum'
    loss = jnp.sum(per_batch) / N                                 # batch_reduction='mean'
    return loss

if __name__ == "__main__":
    import jax
    _d = setup_inputs()
    print(jax.jit(kernel)(*tuple(_d.values())))

</pallas_src>

<mosaic_0001>
#map = affine_map<(d0, d1) -> (0)>
#map1 = affine_map<(d0, d1) -> (0, 0)>
module attributes {stable_mosaic.version = 14 : i64} {
  func.func @_chamfer_sc(%arg0: i32, %arg1: i32, %arg2: memref<49152xf32, #tpu.memory_space<hbm>>, %arg3: memref<49152xf32, #tpu.memory_space<hbm>>, %arg4: memref<32x16xf32, #tpu.memory_space<hbm>>, %arg5: memref<4096xf32, #tpu.memory_space<vmem>>, %arg6: memref<4096xf32, #tpu.memory_space<vmem>>, %arg7: memref<4096xf32, #tpu.memory_space<vmem>>, %arg8: memref<4096xf32, #tpu.memory_space<vmem>>, %arg9: memref<512xf32, #tpu.memory_space<vmem>>, %arg10: memref<512xf32, #tpu.memory_space<vmem>>, %arg11: memref<512xf32, #tpu.memory_space<vmem>>, %arg12: memref<512xf32, #tpu.memory_space<vmem>>, %arg13: memref<16xf32, #tpu.memory_space<vmem>>, %arg14: memref<!tpu.dma_semaphore, #tpu.memory_space<semaphore_mem>>) attributes {dimension_semantics = [#tpu.dimension_semantics<core_parallel>, #tpu.dimension_semantics<subcore_parallel>], iteration_bounds = array<i64: 2, 16>, scalar_prefetch = 0 : i64, scratch_operands = 10 : i64, tpu.core_type = #tpu.core_type<sc_vector_subcore>, window_params = [{transform_indices = #map}, {transform_indices = #map}, {transform_indices = #map1}]} {
    %mul3A = arith.constant 2 : i32
    %mul3A_0 = arith.muli %arg1, %mul3A : i32
    %add3A = arith.addi %mul3A_0, %arg0 : i32
    %jit3A = arith.constant 8 : i32
    %div3A = arith.divsi %add3A, %jit3A : i32
    %sign3A = arith.constant 0 : i32
    %sign3A_1 = arith.cmpi sgt, %add3A, %sign3A : i32
    %sign3A_2 = arith.extui %sign3A_1 : i1 to i32
    %sign3A_3 = arith.constant 0 : i32
    %sign3A_4 = arith.cmpi slt, %add3A, %sign3A_3 : i32
    %sign3A_5 = arith.extui %sign3A_4 : i1 to i32
    %sign3A_6 = arith.subi %sign3A_2, %sign3A_5 : i32
    %sign3A_7 = arith.constant 0 : i32
    %sign3A_8 = arith.cmpi sgt, %jit3A, %sign3A_7 : i32
    %sign3A_9 = arith.extui %sign3A_8 : i1 to i32
    %sign3A_10 = arith.constant 0 : i32
    %sign3A_11 = arith.cmpi slt, %jit3A, %sign3A_10 : i32
    %sign3A_12 = arith.extui %sign3A_11 : i1 to i32
    %sign3A_13 = arith.subi %sign3A_9, %sign3A_12 : i32
    %ne3A = arith.cmpi ne, %sign3A_6, %sign3A_13 : i32
    %rem3A = arith.remsi %add3A, %jit3A : i32
    %ne3A_14 = arith.constant 0 : i32
    %ne3A_15 = arith.cmpi ne, %rem3A, %ne3A_14 : i32
    %and3A = arith.andi %ne3A, %ne3A_15 : i1
    %sub3A = arith.constant 1 : i32
    %sub3A_16 = arith.subi %div3A, %sub3A : i32
    %select_n3A = arith.select %and3A, %sub3A_16, %div3A : i32
    %jit3A_17 = arith.constant 8 : i32
    %eq3A = arith.constant 0 : i32
    %eq3A_18 = arith.cmpi eq, %jit3A_17, %eq3A : i32
    %jit3A_19 = arith.constant 1 : i32
    %select_n3A_20 = arith.select %eq3A_18, %jit3A_19, %jit3A_17 : i32
    %rem3A_21 = arith.remsi %add3A, %select_n3A_20 : i32
    %ne3A_22 = arith.constant 0 : i32
    %ne3A_23 = arith.cmpi ne, %rem3A_21, %ne3A_22 : i32
    %lt3A = arith.constant 0 : i32
    %lt3A_24 = arith.cmpi slt, %rem3A_21, %lt3A : i32
    %lt3A_25 = arith.constant 0 : i32
    %lt3A_26 = arith.cmpi slt, %select_n3A_20, %lt3A_25 : i32
    %ne3A_27 = arith.xori %lt3A_24, %lt3A_26 : i1
    %and3A_28 = arith.andi %ne3A_27, %ne3A_23 : i1
    %add3A_29 = arith.addi %rem3A_21, %select_n3A_20 : i32
    %select_n3A_30 = arith.select %and3A_28, %add3A_29, %rem3A_21 : i32
    %mul3A_31 = arith.constant 512 : i32
    %mul3A_32 = arith.muli %select_n3A_30, %mul3A_31 : i32
    %mul3A_33 = arith.constant 12288 : i32
    %mul3A_34 = arith.muli %select_n3A, %mul3A_33 : i32
    "tpu.region"() ({
      %run_scoped3A = tpu.sem_alloc : memref<!tpu.dma_semaphore, #tpu.memory_space<semaphore_mem>>
      %dma_start3A = tpu.memref_slice %arg3[%mul3A_34] : memref<49152xf32, #tpu.memory_space<hbm>> -> memref<4096xf32, #tpu.memory_space<hbm>>
      %dma_start3A_73 = tpu.memref_slice %arg3[%mul3A_34] : memref<49152xf32, #tpu.memory_space<hbm>> -> memref<4096xf32, #tpu.memory_space<hbm>>
      tpu.enqueue_dma source(%dma_start3A_73 : memref<4096xf32, #tpu.memory_space<hbm>>) target(%arg5 : memref<4096xf32, #tpu.memory_space<vmem>>) target_semaphore(%run_scoped3A : memref<!tpu.dma_semaphore, #tpu.memory_space<semaphore_mem>>)
      %dma_wait3A = tpu.memref_slice %arg3[%mul3A_34] : memref<49152xf32, #tpu.memory_space<hbm>> -> memref<4096xf32, #tpu.memory_space<hbm>>
      %dma_wait3A_74 = tpu.memref_slice %arg3[%mul3A_34] : memref<49152xf32, #tpu.memory_space<hbm>> -> memref<4096xf32, #tpu.memory_space<hbm>>
      tpu.wait_dma2 semaphore(%run_scoped3A : memref<!tpu.dma_semaphore, #tpu.memory_space<semaphore_mem>>) src(%dma_wait3A_74 : memref<4096xf32, #tpu.memory_space<hbm>>) dst(%arg5 : memref<4096xf32, #tpu.memory_space<vmem>>)
      tpu.yield
    }) : () -> ()
    %add3A_35 = arith.constant 4096 : i32
    %add3A_36 = arith.addi %mul3A_34, %add3A_35 : i32
    "tpu.region"() ({
      %run_scoped3A = tpu.sem_alloc : memref<!tpu.dma_semaphore, #tpu.memory_space<semaphore_mem>>
      %dma_start3A = tpu.memref_slice %arg3[%add3A_36] : memref<49152xf32, #tpu.memory_space<hbm>> -> memref<4096xf32, #tpu.memory_space<hbm>>
      %dma_start3A_73 = tpu.memref_slice %arg3[%add3A_36] : memref<49152xf32, #tpu.memory_space<hbm>> -> memref<4096xf32, #tpu.memory_space<hbm>>
      tpu.enqueue_dma source(%dma_start3A_73 : memref<4096xf32, #tpu.memory_space<hbm>>) target(%arg6 : memref<4096xf32, #tpu.memory_space<vmem>>) target_semaphore(%run_scoped3A : memref<!tpu.dma_semaphore, #tpu.memory_space<semaphore_mem>>)
      %dma_wait3A = tpu.memref_slice %arg3[%add3A_36] : memref<49152xf32, #tpu.memory_space<hbm>> -> memref<4096xf32, #tpu.memory_space<hbm>>
      %dma_wait3A_74 = tpu.memref_slice %arg3[%add3A_36] : memref<49152xf32, #tpu.memory_space<hbm>> -> memref<4096xf32, #tpu.memory_space<hbm>>
      tpu.wait_dma2 semaphore(%run_scoped3A : memref<!tpu.dma_semaphore, #tpu.memory_space<semaphore_mem>>) src(%dma_wait3A_74 : memref<4096xf32, #tpu.memory_space<hbm>>) dst(%arg6 : memref<4096xf32, #tpu.memory_space<vmem>>)
      tpu.yield
    }) : () -> ()
    %add3A_37 = arith.constant 8192 : i32
    %add3A_38 = arith.addi %mul3A_34, %add3A_37 : i32
    "tpu.region"() ({
      %run_scoped3A = tpu.sem_alloc : memref<!tpu.dma_semaphore, #tpu.memory_space<semaphore_mem>>
      %dma_start3A = tpu.memref_slice %arg3[%add3A_38] : memref<49152xf32, #tpu.memory_space<hbm>> -> memref<4096xf32, #tpu.memory_space<hbm>>
      %dma_start3A_73 = tpu.memref_slice %arg3[%add3A_38] : memref<49152xf32, #tpu.memory_space<hbm>> -> memref<4096xf32, #tpu.memory_space<hbm>>
      tpu.enqueue_dma source(%dma_start3A_73 : memref<4096xf32, #tpu.memory_space<hbm>>) target(%arg7 : memref<4096xf32, #tpu.memory_space<vmem>>) target_semaphore(%run_scoped3A : memref<!tpu.dma_semaphore, #tpu.memory_space<semaphore_mem>>)
      %dma_wait3A = tpu.memref_slice %arg3[%add3A_38] : memref<49152xf32, #tpu.memory_space<hbm>> -> memref<4096xf32, #tpu.memory_space<hbm>>
      %dma_wait3A_74 = tpu.memref_slice %arg3[%add3A_38] : memref<49152xf32, #tpu.memory_space<hbm>> -> memref<4096xf32, #tpu.memory_space<hbm>>
      tpu.wait_dma2 semaphore(%run_scoped3A : memref<!tpu.dma_semaphore, #tpu.memory_space<semaphore_mem>>) src(%dma_wait3A_74 : memref<4096xf32, #tpu.memory_space<hbm>>) dst(%arg7 : memref<4096xf32, #tpu.memory_space<vmem>>)
      tpu.yield
    }) : () -> ()
    %add3A_39 = arith.addi %mul3A_34, %mul3A_32 : i32
    "tpu.region"() ({
      %run_scoped3A = tpu.sem_alloc : memref<!tpu.dma_semaphore, #tpu.memory_space<semaphore_mem>>
      %dma_start3A = tpu.memref_slice %arg2[%add3A_39] : memref<49152xf32, #tpu.memory_space<hbm>> -> memref<512xf32, #tpu.memory_space<hbm>>
      %dma_start3A_73 = tpu.memref_slice %arg2[%add3A_39] : memref<49152xf32, #tpu.memory_space<hbm>> -> memref<512xf32, #tpu.memory_space<hbm>>
      tpu.enqueue_dma source(%dma_start3A_73 : memref<512xf32, #tpu.memory_space<hbm>>) target(%arg9 : memref<512xf32, #tpu.memory_space<vmem>>) target_semaphore(%run_scoped3A : memref<!tpu.dma_semaphore, #tpu.memory_space<semaphore_mem>>)
      %dma_wait3A = tpu.memref_slice %arg2[%add3A_39] : memref<49152xf32, #tpu.memory_space<hbm>> -> memref<512xf32, #tpu.memory_space<hbm>>
      %dma_wait3A_74 = tpu.memref_slice %arg2[%add3A_39] : memref<49152xf32, #tpu.memory_space<hbm>> -> memref<512xf32, #tpu.memory_space<hbm>>
      tpu.wait_dma2 semaphore(%run_scoped3A : memref<!tpu.dma_semaphore, #tpu.memory_space<semaphore_mem>>) src(%dma_wait3A_74 : memref<512xf32, #tpu.memory_space<hbm>>) dst(%arg9 : memref<512xf32, #tpu.memory_space<vmem>>)
      tpu.yield
    }) : () -> ()
    %add3A_40 = arith.constant 4096 : i32
    %add3A_41 = arith.addi %mul3A_34, %add3A_40 : i32
    %add3A_42 = arith.addi %add3A_41, %mul3A_32 : i32
    "tpu.region"() ({
      %run_scoped3A = tpu.sem_alloc : memref<!tpu.dma_semaphore, #tpu.memory_space<semaphore_mem>>
      %dma_start3A = tpu.memref_slice %arg2[%add3A_42] : memref<49152xf32, #tpu.memory_space<hbm>> -> memref<512xf32, #tpu.memory_space<hbm>>
      %dma_start3A_73 = tpu.memref_slice %arg2[%add3A_42] : memref<49152xf32, #tpu.memory_space<hbm>> -> memref<512xf32, #tpu.memory_space<hbm>>
      tpu.enqueue_dma source(%dma_start3A_73 : memref<512xf32, #tpu.memory_space<hbm>>) target(%arg10 : memref<512xf32, #tpu.memory_space<vmem>>) target_semaphore(%run_scoped3A : memref<!tpu.dma_semaphore, #tpu.memory_space<semaphore_mem>>)
      %dma_wait3A = tpu.memref_slice %arg2[%add3A_42] : memref<49152xf32, #tpu.memory_space<hbm>> -> memref<512xf32, #tpu.memory_space<hbm>>
      %dma_wait3A_74 = tpu.memref_slice %arg2[%add3A_42] : memref<49152xf32, #tpu.memory_space<hbm>> -> memref<512xf32, #tpu.memory_space<hbm>>
      tpu.wait_dma2 semaphore(%run_scoped3A : memref<!tpu.dma_semaphore, #tpu.memory_space<semaphore_mem>>) src(%dma_wait3A_74 : memref<512xf32, #tpu.memory_space<hbm>>) dst(%arg10 : memref<512xf32, #tpu.memory_space<vmem>>)
      tpu.yield
    }) : () -> ()
    %add3A_43 = arith.constant 8192 : i32
    %add3A_44 = arith.addi %mul3A_34, %add3A_43 : i32
    %add3A_45 = arith.addi %add3A_44, %mul3A_32 : i32
    "tpu.region"() ({
      %run_scoped3A = tpu.sem_alloc : memref<!tpu.dma_semaphore, #tpu.memory_space<semaphore_mem>>
      %dma_start3A = tpu.memref_slice %arg2[%add3A_45] : memref<49152xf32, #tpu.memory_space<hbm>> -> memref<512xf32, #tpu.memory_space<hbm>>
      %dma_start3A_73 = tpu.memref_slice %arg2[%add3A_45] : memref<49152xf32, #tpu.memory_space<hbm>> -> memref<512xf32, #tpu.memory_space<hbm>>
      tpu.enqueue_dma source(%dma_start3A_73 : memref<512xf32, #tpu.memory_space<hbm>>) target(%arg11 : memref<512xf32, #tpu.memory_space<vmem>>) target_semaphore(%run_scoped3A : memref<!tpu.dma_semaphore, #tpu.memory_space<semaphore_mem>>)
      %dma_wait3A = tpu.memref_slice %arg2[%add3A_45] : memref<49152xf32, #tpu.memory_space<hbm>> -> memref<512xf32, #tpu.memory_space<hbm>>
      %dma_wait3A_74 = tpu.memref_slice %arg2[%add3A_45] : memref<49152xf32, #tpu.memory_space<hbm>> -> memref<512xf32, #tpu.memory_space<hbm>>
      tpu.wait_dma2 semaphore(%run_scoped3A : memref<!tpu.dma_semaphore, #tpu.memory_space<semaphore_mem>>) src(%dma_wait3A_74 : memref<512xf32, #tpu.memory_space<hbm>>) dst(%arg11 : memref<512xf32, #tpu.memory_space<vmem>>)
      tpu.yield
    }) : () -> ()
    %scan3A = arith.constant 0 : i32
    %scan3A_46 = arith.constant 0 : i32
    %scan3A_47 = arith.constant 256 : i32
    %scan3A_48 = arith.addi %scan3A_46, %scan3A_47 : i32
    %scan3A_49 = arith.constant 1 : i32
    scf.for %scan3A_73 = %scan3A_46 to %scan3A_48 step %scan3A_49  : i32 {
      %mul3A_74 = arith.constant 16 : i32
      %mul3A_75 = arith.muli %scan3A_73, %mul3A_74 : i32
      %get3A = arith.index_cast %mul3A_75 : i32 to index
      %get3A_76 = tpu.vector_load %arg5[%get3A] {strides = array<i32>} : memref<4096xf32, #tpu.memory_space<vmem>>, vector<16xf32>,
      %get3A_77 = vector.shape_cast %get3A_76 : vector<16xf32> to vector<16xf32>
      %get3A_78 = arith.index_cast %mul3A_75 : i32 to index
      %get3A_79 = tpu.vector_load %arg6[%get3A_78] {strides = array<i32>} : memref<4096xf32, #tpu.memory_space<vmem>>, vector<16xf32>,
      %get3A_80 = vector.shape_cast %get3A_79 : vector<16xf32> to vector<16xf32>
      %get3A_81 = arith.index_cast %mul3A_75 : i32 to index
      %get3A_82 = tpu.vector_load %arg7[%get3A_81] {strides = array<i32>} : memref<4096xf32, #tpu.memory_space<vmem>>, vector<16xf32>,
      %get3A_83 = vector.shape_cast %get3A_82 : vector<16xf32> to vector<16xf32>
      %mul3A_84 = arith.mulf %get3A_77, %get3A_77 : vector<16xf32>
      %mul3A_85 = arith.mulf %get3A_80, %get3A_80 : vector<16xf32>
      %add3A_86 = arith.addf %mul3A_84, %mul3A_85 : vector<16xf32>
      %mul3A_87 = arith.mulf %get3A_83, %get3A_83 : vector<16xf32>
      %add3A_88 = arith.addf %add3A_86, %mul3A_87 : vector<16xf32>
      %swap3A_89 = arith.index_cast %mul3A_75 : i32 to index
      %swap3A_90 = tpu.vector_load %arg8[%swap3A_89] {strides = array<i32>} : memref<4096xf32, #tpu.memory_space<vmem>>, vector<16xf32>,
      %swap3A_91 = vector.shape_cast %swap3A_90 : vector<16xf32> to vector<16xf32>
      %swap3A_92 = vector.shape_cast %add3A_88 : vector<16xf32> to vector<16xf32>
      tpu.vector_store %arg8[%swap3A_89], %swap3A_92 {strides = array<i32>} : memref<4096xf32, #tpu.memory_space<vmem>>, vector<16xf32>,
      %mul3A_93 = arith.constant 6.553700e+04 : f32
      %mul3A_94 = vector.broadcast %mul3A_93 : f32 to vector<16xf32>
      %mul3A_95 = arith.mulf %get3A_77, %mul3A_94 : vector<16xf32>
      %sub3A_96 = arith.subf %mul3A_95, %get3A_77 : vector<16xf32>
      %sub3A_97 = arith.subf %mul3A_95, %sub3A_96 : vector<16xf32>
      %swap3A_98 = arith.index_cast %mul3A_75 : i32 to index
      %swap3A_99 = tpu.vector_load %arg5[%swap3A_98] {strides = array<i32>} : memref<4096xf32, #tpu.memory_space<vmem>>, vector<16xf32>,
      %swap3A_100 = vector.shape_cast %swap3A_99 : vector<16xf32> to vector<16xf32>
      %swap3A_101 = vector.shape_cast %sub3A_97 : vector<16xf32> to vector<16xf32>
      tpu.vector_store %arg5[%swap3A_98], %swap3A_101 {strides = array<i32>} : memref<4096xf32, #tpu.memory_space<vmem>>, vector<16xf32>,
      %mul3A_102 = arith.constant 6.553700e+04 : f32
      %mul3A_103 = vector.broadcast %mul3A_102 : f32 to vector<16xf32>
      %mul3A_104 = arith.mulf %get3A_80, %mul3A_103 : vector<16xf32>
      %sub3A_105 = arith.subf %mul3A_104, %get3A_80 : vector<16xf32>
      %sub3A_106 = arith.subf %mul3A_104, %sub3A_105 : vector<16xf32>
      %swap3A_107 = arith.index_cast %mul3A_75 : i32 to index
      %swap3A_108 = tpu.vector_load %arg6[%swap3A_107] {strides = array<i32>} : memref<4096xf32, #tpu.memory_space<vmem>>, vector<16xf32>,
      %swap3A_109 = vector.shape_cast %swap3A_108 : vector<16xf32> to vector<16xf32>
      %swap3A_110 = vector.shape_cast %sub3A_106 : vector<16xf32> to vector<16xf32>
      tpu.vector_store %arg6[%swap3A_107], %swap3A_110 {strides = array<i32>} : memref<4096xf32, #tpu.memory_space<vmem>>, vector<16xf32>,
      %mul3A_111 = arith.constant 6.553700e+04 : f32
      %mul3A_112 = vector.broadcast %mul3A_111 : f32 to vector<16xf32>
      %mul3A_113 = arith.mulf %get3A_83, %mul3A_112 : vector<16xf32>
      %sub3A_114 = arith.subf %mul3A_113, %get3A_83 : vector<16xf32>
      %sub3A_115 = arith.subf %mul3A_113, %sub3A_114 : vector<16xf32>
      %swap3A_116 = arith.index_cast %mul3A_75 : i32 to index
      %swap3A_117 = tpu.vector_load %arg7[%swap3A_116] {strides = array<i32>} : memref<4096xf32, #tpu.memory_space<vmem>>, vector<16xf32>,
      %swap3A_118 = vector.shape_cast %swap3A_117 : vector<16xf32> to vector<16xf32>
      %swap3A_119 = vector.shape_cast %sub3A_115 : vector<16xf32> to vector<16xf32>
      tpu.vector_store %arg7[%swap3A_116], %swap3A_119 {strides = array<i32>} : memref<4096xf32, #tpu.memory_space<vmem>>, vector<16xf32>,
    }
    %scan3A_50 = arith.constant 256 : i32
    %scan3A_51 = arith.constant 0 : i32
    %scan3A_52 = arith.constant 0 : i32
    %scan3A_53 = arith.constant 32 : i32
    %scan3A_54 = arith.addi %scan3A_52, %scan3A_53 : i32
    %scan3A_55 = arith.constant 1 : i32
    scf.for %scan3A_73 = %scan3A_52 to %scan3A_54 step %scan3A_55  : i32 {
      %mul3A_74 = arith.constant 16 : i32
      %mul3A_75 = arith.muli %scan3A_73, %mul3A_74 : i32
      %get3A = arith.index_cast %mul3A_75 : i32 to index
      %get3A_76 = tpu.vector_load %arg9[%get3A] {strides = array<i32>} : memref<512xf32, #tpu.memory_space<vmem>>, vector<16xf32>,
      %get3A_77 = vector.shape_cast %get3A_76 : vector<16xf32> to vector<16xf32>
      %get3A_78 = arith.index_cast %mul3A_75 : i32 to index
      %get3A_79 = tpu.vector_load %arg10[%get3A_78] {strides = array<i32>} : memref<512xf32, #tpu.memory_space<vmem>>, vector<16xf32>,
      %get3A_80 = vector.shape_cast %get3A_79 : vector<16xf32> to vector<16xf32>
      %get3A_81 = arith.index_cast %mul3A_75 : i32 to index
      %get3A_82 = tpu.vector_load %arg11[%get3A_81] {strides = array<i32>} : memref<512xf32, #tpu.memory_space<vmem>>, vector<16xf32>,
      %get3A_83 = vector.shape_cast %get3A_82 : vector<16xf32> to vector<16xf32>
      %mul3A_84 = arith.mulf %get3A_77, %get3A_77 : vector<16xf32>
      %mul3A_85 = arith.mulf %get3A_80, %get3A_80 : vector<16xf32>
      %add3A_86 = arith.addf %mul3A_84, %mul3A_85 : vector<16xf32>
      %mul3A_87 = arith.mulf %get3A_83, %get3A_83 : vector<16xf32>
      %add3A_88 = arith.addf %add3A_86, %mul3A_87 : vector<16xf32>
      %swap3A_89 = arith.index_cast %mul3A_75 : i32 to index
      %swap3A_90 = tpu.vector_load %arg12[%swap3A_89] {strides = array<i32>} : memref<512xf32, #tpu.memory_space<vmem>>, vector<16xf32>,
      %swap3A_91 = vector.shape_cast %swap3A_90 : vector<16xf32> to vector<16xf32>
      %swap3A_92 = vector.shape_cast %add3A_88 : vector<16xf32> to vector<16xf32>
      tpu.vector_store %arg12[%swap3A_89], %swap3A_92 {strides = array<i32>} : memref<512xf32, #tpu.memory_space<vmem>>, vector<16xf32>,
      %mul3A_93 = arith.constant 6.553700e+04 : f32
      %mul3A_94 = vector.broadcast %mul3A_93 : f32 to vector<16xf32>
      %mul3A_95 = arith.mulf %get3A_77, %mul3A_94 : vector<16xf32>
      %sub3A_96 = arith.subf %mul3A_95, %get3A_77 : vector<16xf32>
      %sub3A_97 = arith.subf %mul3A_95, %sub3A_96 : vector<16xf32>
      %swap3A_98 = arith.index_cast %mul3A_75 : i32 to index
      %swap3A_99 = tpu.vector_load %arg9[%swap3A_98] {strides = array<i32>} : memref<512xf32, #tpu.memory_space<vmem>>, vector<16xf32>,
      %swap3A_100 = vector.shape_cast %swap3A_99 : vector<16xf32> to vector<16xf32>
      %swap3A_101 = vector.shape_cast %sub3A_97 : vector<16xf32> to vector<16xf32>
      tpu.vector_store %arg9[%swap3A_98], %swap3A_101 {strides = array<i32>} : memref<512xf32, #tpu.memory_space<vmem>>, vector<16xf32>,
      %mul3A_102 = arith.constant 6.553700e+04 : f32
      %mul3A_103 = vector.broadcast %mul3A_102 : f32 to vector<16xf32>
      %mul3A_104 = arith.mulf %get3A_80, %mul3A_103 : vector<16xf32>
      %sub3A_105 = arith.subf %mul3A_104, %get3A_80 : vector<16xf32>
      %sub3A_106 = arith.subf %mul3A_104, %sub3A_105 : vector<16xf32>
      %swap3A_107 = arith.index_cast %mul3A_75 : i32 to index
      %swap3A_108 = tpu.vector_load %arg10[%swap3A_107] {strides = array<i32>} : memref<512xf32, #tpu.memory_space<vmem>>, vector<16xf32>,
      %swap3A_109 = vector.shape_cast %swap3A_108 : vector<16xf32> to vector<16xf32>
      %swap3A_110 = vector.shape_cast %sub3A_106 : vector<16xf32> to vector<16xf32>
      tpu.vector_store %arg10[%swap3A_107], %swap3A_110 {strides = array<i32>} : memref<512xf32, #tpu.memory_space<vmem>>, vector<16xf32>,
      %mul3A_111 = arith.constant 6.553700e+04 : f32
      %mul3A_112 = vector.broadcast %mul3A_111 : f32 to vector<16xf32>
      %mul3A_113 = arith.mulf %get3A_83, %mul3A_112 : vector<16xf32>
      %sub3A_114 = arith.subf %mul3A_113, %get3A_83 : vector<16xf32>
      %sub3A_115 = arith.subf %mul3A_113, %sub3A_114 : vector<16xf32>
      %swap3A_116 = arith.index_cast %mul3A_75 : i32 to index
      %swap3A_117 = tpu.vector_load %arg11[%swap3A_116] {strides = array<i32>} : memref<512xf32, #tpu.memory_space<vmem>>, vector<16xf32>,
      %swap3A_118 = vector.shape_cast %swap3A_117 : vector<16xf32> to vector<16xf32>
      %swap3A_119 = vector.shape_cast %sub3A_115 : vector<16xf32> to vector<16xf32>
      tpu.vector_store %arg11[%swap3A_116], %swap3A_119 {strides = array<i32>} : memref<512xf32, #tpu.memory_space<vmem>>, vector<16xf32>,
    }
    %scan3A_56 = arith.constant 32 : i32
    %broadcast_in_dim3A = arith.constant 0.000000e+00 : f32
    %broadcast_in_dim3A_57 = vector.broadcast %broadcast_in_dim3A : f32 to vector<16xf32>
    %scan3A_58 = arith.constant 0 : i32
    %scan3A_59 = arith.constant 32 : i32
    %scan3A_60 = arith.addi %scan3A_58, %scan3A_59 : i32
    %scan3A_61 = arith.constant 1 : i32
    %scan3A_62 = scf.for %scan3A_73 = %scan3A_58 to %scan3A_60 step %scan3A_61 iter_args(%scan3A_74 = %broadcast_in_dim3A_57) -> (vector<16xf32>)  : i32 {
      %mul3A_75 = arith.constant 16 : i32
      %mul3A_76 = arith.muli %scan3A_73, %mul3A_75 : i32
      %get3A = arith.index_cast %mul3A_76 : i32 to index
      %get3A_77 = tpu.vector_load %arg9[%get3A] {strides = array<i32>} : memref<512xf32, #tpu.memory_space<vmem>>, vector<16xf32>,
      %get3A_78 = vector.shape_cast %get3A_77 : vector<16xf32> to vector<16xf32>
      %get3A_79 = arith.index_cast %mul3A_76 : i32 to index
      %get3A_80 = tpu.vector_load %arg10[%get3A_79] {strides = array<i32>} : memref<512xf32, #tpu.memory_space<vmem>>, vector<16xf32>,
      %get3A_81 = vector.shape_cast %get3A_80 : vector<16xf32> to vector<16xf32>
      %get3A_82 = arith.index_cast %mul3A_76 : i32 to index
      %get3A_83 = tpu.vector_load %arg11[%get3A_82] {strides = array<i32>} : memref<512xf32, #tpu.memory_space<vmem>>, vector<16xf32>,
      %get3A_84 = vector.shape_cast %get3A_83 : vector<16xf32> to vector<16xf32>
      %get3A_85 = arith.index_cast %mul3A_76 : i32 to index
      %get3A_86 = tpu.vector_load %arg12[%get3A_85] {strides = array<i32>} : memref<512xf32, #tpu.memory_space<vmem>>, vector<16xf32>,
      %get3A_87 = vector.shape_cast %get3A_86 : vector<16xf32> to vector<16xf32>
      %scan3A_88 = arith.constant 0 : i32
      %scan3A_89 = arith.constant 16 : i32
      %scan3A_90 = arith.addi %scan3A_88, %scan3A_89 : i32
      %scan3A_91 = arith.constant 1 : i32
      %scan3A_92 = scf.for %scan3A_94 = %scan3A_88 to %scan3A_90 step %scan3A_91 iter_args(%scan3A_95 = %scan3A_74) -> (vector<16xf32>)  : i32 {
        %broadcast_in_dim3A_96 = vector.broadcast %scan3A_94 : i32 to vector<16x1xi32>
        %gather3A = vector.shape_cast %broadcast_in_dim3A_96 : vector<16x1xi32> to vector<16xi32>
        %gather3A_97 = tpu.dynamic_gather %get3A_78[%gather3A] in [0] : vector<16xf32>, vector<16xi32> -> vector<16xf32>
        %broadcast_in_dim3A_98 = vector.broadcast %scan3A_94 : i32 to vector<16x1xi32>
        %gather3A_99 = vector.shape_cast %broadcast_in_dim3A_98 : vector<16x1xi32> to vector<16xi32>
        %gather3A_100 = tpu.dynamic_gather %get3A_81[%gather3A_99] in [0] : vector<16xf32>, vector<16xi32> -> vector<16xf32>
        %broadcast_in_dim3A_101 = vector.broadcast %scan3A_94 : i32 to vector<16x1xi32>
        %gather3A_102 = vector.shape_cast %broadcast_in_dim3A_101 : vector<16x1xi32> to vector<16xi32>
        %gather3A_103 = tpu.dynamic_gather %get3A_84[%gather3A_102] in [0] : vector<16xf32>, vector<16xi32> -> vector<16xf32>
        %broadcast_in_dim3A_104 = vector.broadcast %scan3A_94 : i32 to vector<16x1xi32>
        %gather3A_105 = vector.shape_cast %broadcast_in_dim3A_104 : vector<16x1xi32> to vector<16xi32>
        %gather3A_106 = tpu.dynamic_gather %get3A_87[%gather3A_105] in [0] : vector<16xf32>, vector<16xi32> -> vector<16xf32>
        %broadcast_in_dim3A_107 = arith.constant 0x7F800000 : f32
        %broadcast_in_dim3A_108 = vector.broadcast %broadcast_in_dim3A_107 : f32 to vector<16xf32>
        %scan3A_109 = arith.constant 0 : i32
        %scan3A_110 = arith.constant 256 : i32
        %scan3A_111 = arith.addi %scan3A_109, %scan3A_110 : i32
        %scan3A_112 = arith.constant 1 : i32
        %scan3A_113 = scf.for %scan3A_142 = %scan3A_109 to %scan3A_111 step %scan3A_112 iter_args(%scan3A_143 = %broadcast_in_dim3A_108) -> (vector<16xf32>)  : i32 {
          %mul3A_144 = arith.constant 16 : i32
          %mul3A_145 = arith.muli %scan3A_142, %mul3A_144 : i32
          %get3A_146 = arith.index_cast %mul3A_145 : i32 to index
          %get3A_147 = tpu.vector_load %arg8[%get3A_146] {strides = array<i32>} : memref<4096xf32, #tpu.memory_space<vmem>>, vector<16xf32>,
          %get3A_148 = vector.shape_cast %get3A_147 : vector<16xf32> to vector<16xf32>
          %add3A_149 = arith.addf %gather3A_106, %get3A_148 : vector<16xf32>
          %get3A_150 = arith.index_cast %mul3A_145 : i32 to index
          %get3A_151 = tpu.vector_load %arg5[%get3A_150] {strides = array<i32>} : memref<4096xf32, #tpu.memory_space<vmem>>, vector<16xf32>,
          %get3A_152 = vector.shape_cast %get3A_151 : vector<16xf32> to vector<16xf32>
          %mul3A_153 = arith.mulf %gather3A_97, %get3A_152 : vector<16xf32>
          %get3A_154 = arith.index_cast %mul3A_145 : i32 to index
          %get3A_155 = tpu.vector_load %arg6[%get3A_154] {strides = array<i32>} : memref<4096xf32, #tpu.memory_space<vmem>>, vector<16xf32>,
          %get3A_156 = vector.shape_cast %get3A_155 : vector<16xf32> to vector<16xf32>
          %mul3A_157 = arith.mulf %gather3A_100, %get3A_156 : vector<16xf32>
          %add3A_158 = arith.addf %mul3A_153, %mul3A_157 : vector<16xf32>
          %get3A_159 = arith.index_cast %mul3A_145 : i32 to index
          %get3A_160 = tpu.vector_load %arg7[%get3A_159] {strides = array<i32>} : memref<4096xf32, #tpu.memory_space<vmem>>, vector<16xf32>,
          %get3A_161 = vector.shape_cast %get3A_160 : vector<16xf32> to vector<16xf32>
          %mul3A_162 = arith.mulf %gather3A_103, %get3A_161 : vector<16xf32>
          %add3A_163 = arith.addf %add3A_158, %mul3A_162 : vector<16xf32>
          %mul3A_164 = arith.constant 2.000000e+00 : f32
          %mul3A_165 = vector.broadcast %mul3A_164 : f32 to vector<16xf32>
          %mul3A_166 = arith.mulf %mul3A_165, %add3A_163 : vector<16xf32>
          %sub3A_167 = arith.subf %add3A_149, %mul3A_166 : vector<16xf32>
          %min3A_168 = arith.minimumf %scan3A_143, %sub3A_167 : vector<16xf32>
          scf.yield %min3A_168 : vector<16xf32>
        }
        %scan3A_114 = arith.constant 256 : i32
        %iota3A_115 = tpu.iota {dimensions = array<i32: 0>} : vector<16xi32>
        %xor3A = arith.constant 8 : i32
        %xor3A_116 = vector.broadcast %xor3A : i32 to vector<16xi32>
        %xor3A_117 = arith.xori %iota3A_115, %xor3A_116 : vector<16xi32>
        %reshape3A = vector.shape_cast %xor3A_117 : vector<16xi32> to vector<16x1xi32>
        %gather3A_118 = vector.shape_cast %reshape3A : vector<16x1xi32> to vector<16xi32>
        %gather3A_119 = tpu.dynamic_gather %scan3A_113[%gather3A_118] in [0] : vector<16xf32>, vector<16xi32> -> vector<16xf32>
        %min3A = arith.minimumf %scan3A_113, %gather3A_119 : vector<16xf32>
        %xor3A_120 = arith.constant 4 : i32
        %xor3A_121 = vector.broadcast %xor3A_120 : i32 to vector<16xi32>
        %xor3A_122 = arith.xori %iota3A_115, %xor3A_121 : vector<16xi32>
        %reshape3A_123 = vector.shape_cast %xor3A_122 : vector<16xi32> to vector<16x1xi32>
        %gather3A_124 = vector.shape_cast %reshape3A_123 : vector<16x1xi32> to vector<16xi32>
        %gather3A_125 = tpu.dynamic_gather %min3A[%gather3A_124] in [0] : vector<16xf32>, vector<16xi32> -> vector<16xf32>
        %min3A_126 = arith.minimumf %min3A, %gather3A_125 : vector<16xf32>
        %xor3A_127 = arith.constant 2 : i32
        %xor3A_128 = vector.broadcast %xor3A_127 : i32 to vector<16xi32>
        %xor3A_129 = arith.xori %iota3A_115, %xor3A_128 : vector<16xi32>
        %reshape3A_130 = vector.shape_cast %xor3A_129 : vector<16xi32> to vector<16x1xi32>
        %gather3A_131 = vector.shape_cast %reshape3A_130 : vector<16x1xi32> to vector<16xi32>
        %gather3A_132 = tpu.dynamic_gather %min3A_126[%gather3A_131] in [0] : vector<16xf32>, vector<16xi32> -> vector<16xf32>
        %min3A_133 = arith.minimumf %min3A_126, %gather3A_132 : vector<16xf32>
        %xor3A_134 = arith.constant 1 : i32
        %xor3A_135 = vector.broadcast %xor3A_134 : i32 to vector<16xi32>
        %xor3A_136 = arith.xori %iota3A_115, %xor3A_135 : vector<16xi32>
        %reshape3A_137 = vector.shape_cast %xor3A_136 : vector<16xi32> to vector<16x1xi32>
        %gather3A_138 = vector.shape_cast %reshape3A_137 : vector<16x1xi32> to vector<16xi32>
        %gather3A_139 = tpu.dynamic_gather %min3A_133[%gather3A_138] in [0] : vector<16xf32>, vector<16xi32> -> vector<16xf32>
        %min3A_140 = arith.minimumf %min3A_133, %gather3A_139 : vector<16xf32>
        %add3A_141 = arith.addf %scan3A_95, %min3A_140 : vector<16xf32>
        scf.yield %add3A_141 : vector<16xf32>
      }
      %scan3A_93 = arith.constant 16 : i32
      scf.yield %scan3A_92 : vector<16xf32>
    }
    %scan3A_63 = arith.constant 32 : i32
    %iota3A = tpu.iota {dimensions = array<i32: 0>} : vector<16xi32>
    %eq3A_64 = arith.constant 0 : i32
    %eq3A_65 = vector.broadcast %eq3A_64 : i32 to vector<16xi32>
    %eq3A_66 = arith.cmpi eq, %iota3A, %eq3A_65 : vector<16xi32>
    %jit3A_67 = arith.constant 0.000000e+00 : f32
    %broadcast_in_dim3A_68 = vector.broadcast %jit3A_67 : f32 to vector<16xf32>
    %select_n3A_69 = arith.select %eq3A_66, %scan3A_62, %broadcast_in_dim3A_68 : vector<16xi1>, vector<16xf32>
    %swap3A = arith.constant 0 : index
    %swap3A_70 = tpu.vector_load %arg13[%swap3A] {strides = array<i32>} : memref<16xf32, #tpu.memory_space<vmem>>, vector<16xf32>,
    %swap3A_71 = vector.shape_cast %swap3A_70 : vector<16xf32> to vector<16xf32>
    %swap3A_72 = vector.shape_cast %select_n3A_69 : vector<16xf32> to vector<16xf32>
    tpu.vector_store %arg13[%swap3A], %swap3A_72 {strides = array<i32>} : memref<16xf32, #tpu.memory_space<vmem>>, vector<16xf32>,
    "tpu.region"() ({
      %run_scoped3A = tpu.sem_alloc : memref<!tpu.dma_semaphore, #tpu.memory_space<semaphore_mem>>
      %dma_start3A = arith.constant 0 : i32
      %dma_start3A_73 = tpu.memref_slice %arg4[%add3A, %dma_start3A] : memref<32x16xf32, #tpu.memory_space<hbm>> -> memref<1x16xf32, #tpu.memory_space<hbm>>
      %dma_start3A_74 = tpu.memref_squeeze %dma_start3A_73 : memref<1x16xf32, #tpu.memory_space<hbm>> -> memref<16xf32, #tpu.memory_space<hbm>>
      %dma_start3A_75 = arith.constant 0 : i32
      %dma_start3A_76 = tpu.memref_slice %arg4[%add3A, %dma_start3A_75] : memref<32x16xf32, #tpu.memory_space<hbm>> -> memref<1x16xf32, #tpu.memory_space<hbm>>
      %dma_start3A_77 = tpu.memref_squeeze %dma_start3A_76 : memref<1x16xf32, #tpu.memory_space<hbm>> -> memref<16xf32, #tpu.memory_space<hbm>>
      tpu.enqueue_dma source(%arg13 : memref<16xf32, #tpu.memory_space<vmem>>) target(%dma_start3A_77 : memref<16xf32, #tpu.memory_space<hbm>>) target_semaphore(%run_scoped3A : memref<!tpu.dma_semaphore, #tpu.memory_space<semaphore_mem>>)
      %dma_wait3A = arith.constant 0 : i32
      %dma_wait3A_78 = tpu.memref_slice %arg4[%add3A, %dma_wait3A] : memref<32x16xf32, #tpu.memory_space<hbm>> -> memref<1x16xf32, #tpu.memory_space<hbm>>
      %dma_wait3A_79 = tpu.memref_squeeze %dma_wait3A_78 : memref<1x16xf32, #tpu.memory_space<hbm>> -> memref<16xf32, #tpu.memory_space<hbm>>
      %dma_wait3A_80 = arith.constant 0 : i32
      %dma_wait3A_81 = tpu.memref_slice %arg4[%add3A, %dma_wait3A_80] : memref<32x16xf32, #tpu.memory_space<hbm>> -> memref<1x16xf32, #tpu.memory_space<hbm>>
      %dma_wait3A_82 = tpu.memref_squeeze %dma_wait3A_81 : memref<1x16xf32, #tpu.memory_space<hbm>> -> memref<16xf32, #tpu.memory_space<hbm>>
      tpu.wait_dma2 semaphore(%run_scoped3A : memref<!tpu.dma_semaphore, #tpu.memory_space<semaphore_mem>>) src(%arg13 : memref<16xf32, #tpu.memory_space<vmem>>) dst(%dma_wait3A_82 : memref<16xf32, #tpu.memory_space<hbm>>)
      tpu.yield
    }) : () -> ()
    return
  }
}

</mosaic_0001>

<sc_bundles>
// kernel: kernel.3.cloned.1.call-start
scs
__scs_entry_jumppad:
0x0: {  	(pc) =	sbr.rel $0x88, $3  }
0x1: {  	(tag) =	ssettag $0x0;
	lr =	simm.s32 $0x1  }
0x2: {  	[smem:$0x3F9F] =	sst lr;
	_ =	strace $0xD0000000  }
0x3: {  	_ = 	snop  }
0x4: {  	_ = 	snop  }
0x5: {  	_ = 	snop  }
0x6: {  	_ = 	snop  }
0x7: {  	_ = 	snop  }
__scs_overlays_trampoline_lowered:
0x8: {  	[smem:$0x3FAE] =	sst s0  }
0x9: {  	[smem:$0x3FAF] =	sst s1  }
0xa: {  	[smem:$0x3FB0] =	sst s2  }
0xb: {  	[smem:$0x3FB1] =	sst s3  }
0xc: {  	[smem:$0x3FB2] =	sst s4  }
0xd: {  	[smem:$0x3FB3] =	sst s5  }
0xe: {  	[smem:$0x3FB4] =	sst s6  }
0xf: {  	[smem:$0x3FB5] =	sst s7  }
0x10: {  	[smem:$0x3FB6] =	sst s8  }
0x11: {  	[smem:$0x3FB7] =	sst s9;
	s0 =	simm.s32 @!p0 $0x0  }
0x12: {  	s1 =	sld [smem:$0x3F9D];
	s0 =	simm.s32 @p0 $0x1  }
0x13: {  	[smem:$0x3FB8] =	sst s0;
	s0 =	simm.s32 @!p1 $0x0  }
0x14: {  	s2 =	sld [smem:$0x3F9C];
	s0 =	simm.s32 @p1 $0x1  }
0x15: {  	[smem:$0x3FB9] =	sst s0;
	s0 =	simm.s32 @!p2 $0x0  }
0x16: {  	s3 =	sld [smem:$0x3FDB];
	s0 =	simm.s32 @p2 $0x1  }
0x17: {  	s4 =	simm.s32 $0x1BF5;
	[smem:$0x3FBB] =	sst s0  }
0x18: {  	s0 =	sld [smem:$0x3F9E];
	_ =	swait.ge [sflag:s4], $0x0  }
0x19: {  	s7 =	sld [smem:$0x3F9F]  }
0x1a: {  	s8 =	sadd.s32 $0xFFFFE003, lr  }
0x1b: {  	s9 =	sadd.s32 $0xFFFFFEF7, lr;
	s5 =	simm.s32 $0xFFFFFFFF;
	p2 =	slt.u32 s8, $0xFFFFF086  }
0x1c: {  	p1 =	slt.u32 s9, $0xF7A;
	s5 =	simm.s32 @!p2 $0x0  }
0x1d: {  	s5 =	simm.s32 @p1 $0x1;
	p0 =	seq.s32 s7, s2  }
0x1e: {  	s7 =	smul.u32 @!p0 $0xF7A, s2;
	p2 =	seq.s32 @!p0 s5, $0x0  }
0x1f: {  	s9 =	smul.u32 $0xF7A, s1;
	s8 =	simm.s32 @!p0 $0x1BF5;
	p2 =	por !p2, p0  }
0x20: {  	[sflag:s8] =	ssyncset.s32 @!p0 $0xFFFFF086;
	s6 =	sadd.s32 @!p0 s3, s7;
	s7 =	simm.s32 @!p0 $0x108  }
0x21: {  	s3 =	sadd.s32 s3, s9;
	s6 =	sadd.s32 @!p0 $0x88, s6;
	s7 =	simm.s32 @p2 $0x1082  }
0x22: {  	[simem:s7], [sflag:s8] =	dma.local @!p0 [hbm:s6], $0xF7A  }
0x23: {  	s9 =	sor.u32 $0xD0000000, s2;
	s6 =	simm.s32 $0x108;
	_ =	swait.ge @!p0 [sflag:s8], $0x0  }
0x24: {  	s3 =	sadd.s32 $0x88, s3;
	s6 =	simm.s32 @!p1 $0x1082;
	[sflag:s4] =	ssyncset.s32 $0xFFFFF086  }
0x25: {  	[simem:s6], [sflag:s4] =	dma.local [hbm:s3], $0xF7A  }
0x26: {  	[smem:$0x3F9F] =	sst s1;
	(tag) =	ssettag s2;
	_ =	strace s9  }
0x27: {  	s1 =	sld [smem:$0x3FAF]  }
0x28: {  	s2 =	sld [smem:$0x3FB0]  }
0x29: {  	s4 =	sld [smem:$0x3FB2]  }
0x2a: {  	p0 =	seq.s32 s5, $0x0;
	s5 =	sld [smem:$0x3FB3]  }
0x2b: {  	s6 =	sld [smem:$0x3FB4]  }
0x2c: {  	s7 =	sld [smem:$0x3FB5]  }
0x2d: {  	s3 =	simm.s32 $0x108;
	s8 =	sld [smem:$0x3FB6]  }
0x2e: {  	s3 =	simm.s32 @!p0 $0x1082;
	s9 =	sld [smem:$0x3FB7]  }
0x2f: {  	lr =	sadd.s32 s0, s3;
	s0 =	sld [smem:$0x3FAE]  }
0x30: {  	s3 =	sld [smem:$0x3FB1]  }
0x31: {  	[smem:$0x3FBA] =	sst s10  }
0x32: {  	s10 =	sld [smem:$0x3FB8];
	_ =	sdelay $0x3  }
0x33: {  	p0 =	seq.s32 s10, $0x1;
	s10 =	sld [smem:$0x3FBA];
	_ =	sdelay $0x3  }
0x34: {  	[smem:$0x3FBA] =	sst s10  }
0x35: {  	s10 =	sld [smem:$0x3FB9];
	_ =	sdelay $0x3  }
0x36: {  	p1 =	seq.s32 s10, $0x1;
	s10 =	sld [smem:$0x3FBA];
	_ =	sdelay $0x3  }
0x37: {  	[smem:$0x3FBA] =	sst s10  }
0x38: {  	s10 =	sld [smem:$0x3FBB]  }
0x39: {  	_ = 	snop;
	(pc) =	sbr.ind lr, $3  }
0x3a: {  	_ = 	snop  }
0x3b: {  	_ = 	snop  }
0x3c: {  	p2 =	seq.s32 s10, $0x1;
	s10 =	sld [smem:$0x3FBA]  }
0x3d: {  	_ =	shalt  }
0x3e: {  	_ =	shalt  }
0x3f: {  	_ =	shalt  }
0x40: {  	_ =	shalt  }
0x41: {  	_ =	shalt  }
0x42: {  	_ =	shalt  }
0x43: {  	_ =	shalt  }
0x44: {  	_ =	shalt  }
0x45: {  	_ =	shalt  }
0x46: {  	_ =	shalt  }
0x47: {  	_ =	shalt  }
0x48: {  	_ =	shalt  }
0x49: {  	_ =	shalt  }
0x4a: {  	_ =	shalt  }
0x4b: {  	_ =	shalt  }
0x4c: {  	_ =	shalt  }
0x4d: {  	_ =	shalt  }
0x4e: {  	_ =	shalt  }
0x4f: {  	_ =	shalt  }
0x50: {  	_ =	shalt  }
0x51: {  	_ =	shalt  }
0x52: {  	_ =	shalt  }
0x53: {  	_ =	shalt  }
0x54: {  	_ =	shalt  }
0x55: {  	_ =	shalt  }
0x56: {  	_ =	shalt  }
0x57: {  	_ =	shalt  }
0x58: {  	_ =	shalt  }
0x59: {  	_ =	shalt  }
0x5a: {  	_ =	shalt  }
0x5b: {  	_ =	shalt  }
0x5c: {  	_ =	shalt  }
0x5d: {  	_ =	shalt  }
0x5e: {  	_ =	shalt  }
0x5f: {  	_ =	shalt  }
0x60: {  	_ =	shalt  }
0x61: {  	_ =	shalt  }
0x62: {  	_ =	shalt  }
0x63: {  	_ =	shalt  }
0x64: {  	_ =	shalt  }
0x65: {  	_ =	shalt  }
0x66: {  	_ =	shalt  }
0x67: {  	_ =	shalt  }
0x68: {  	_ =	shalt  }
0x69: {  	_ =	shalt  }
0x6a: {  	_ =	shalt  }
0x6b: {  	_ =	shalt  }
0x6c: {  	_ =	shalt  }
0x6d: {  	_ =	shalt  }
0x6e: {  	_ =	shalt  }
0x6f: {  	_ =	shalt  }
0x70: {  	_ =	shalt  }
0x71: {  	_ =	shalt  }
0x72: {  	_ =	shalt  }
0x73: {  	_ =	shalt  }
0x74: {  	_ =	shalt  }
0x75: {  	_ =	shalt  }
0x76: {  	_ =	shalt  }
0x77: {  	_ =	shalt  }
0x78: {  	_ =	shalt  }
0x79: {  	_ =	shalt  }
0x7a: {  	_ =	shalt  }
0x7b: {  	_ =	shalt  }
0x7c: {  	_ =	shalt  }
0x7d: {  	_ =	shalt  }
0x7e: {  	_ =	shalt  }
0x7f: {  	_ =	shalt  }
0x80: {  	_ =	shalt  }
0x81: {  	_ =	shalt  }
0x82: {  	_ =	shalt  }
0x83: {  	_ =	shalt  }
0x84: {  	_ =	shalt  }
0x85: {  	_ =	shalt  }
0x86: {  	_ =	shalt  }
0x87: {  	_ =	shalt  }
.Lfunc_end0:
.L_simem_size_0:
called_computation_lowered:
.L_overlay_start_0:
0x88: {  	s2 =	sld [smem:$0x3FD9]  }
0x89: {  	s3 =	sld [smem:$0x3FFE];
	_ =	sdelay $0x1  }
0x8a: {  	s1 =	srdreg.scid  }
0x8b: {  	s0 =	sand.u32 $0x1, s1  }
0x8c: {  	s16 =	sshll.u32 s0, $0xA;
	s2 =	sadd.s32 s3, s2  }
0x8d: {  	s2 =	sadd.s32 s2, s16  }
0x8e: {  	[smem:$0x3FC6] =	sst s2  }
0x8f: {  	_ = 	snop  }
0x90: {  	(tm) =	ssettm $0x1  }
0x91: {  	s17 =	sld [smem:$0x3FFB];
	_ =	sdelay $0x3  }
0x92: {  	_ =	strace s17  }
0x93: {  	s2 =	sld [smem:$0x3FFC];
	_ =	sdelay $0x3  }
0x94: {  	_ =	strace s2  }
0x95: {  	s2 =	sld [smem:$0x3FFD];
	_ =	sdelay $0x3  }
0x96: {  	_ =	strace s2  }
0x97: {  	_ =	strace $0x8FFFFFFF  }
0x98: {  	s18 =	sld [smem:$0x3FDB];
	_ =	sdelay $0x1  }
0x99: {  	s19 =	simm.s32 $_scs_section_size  }
0x9a: {  	s4 =	simm.s32 $_size__tile_overlayer_lowered;
	s5 =	simm.s32 $_tile_overlayer_lowered  }
0x9b: {  	s22 =	simm.s32 $0x1BFF;
	s21 =	sshll.u32 s5, $0x1;
	s2 =	sadd.s32 s19, s18  }
0x9c: {  	s6 =	simm.s32 $0x0;
	s20 =	sshll.u32 s4, $0x1;
	s4 =	sadd.s32 s21, s2  }
0x9d: {  	[timem:s6], [sflag:s22] =	dma.local [hbm:s4], s20  }
0x9e: {  	_ =	swait.ge [sflag:s22], s20  }
0x9f: {  	s3 =	ssub.s32 $0x0, s20;
	[sflag:s22] =	ssyncset.done $0x0  }
0xa0: {  	[sflag:s22] =	ssyncadd.s32 s3;
	_ =	sdelay $0x1  }
0xa1: {  	s23 =	simm.s32 $0x1B8B  }
0xa2: {  	_ =	swait.ge [sflag:s23], $0x1  }
0xa3: {  	[sflag:s23] =	ssyncset.done $0x0  }
0xa4: {  	s25 =	simm.s32 $0x1B8E;
	s24 =	sld [smem:$0x3FFE];
	[sflag:s23] =	ssyncadd.s32 $0xFFFFFFFF  }
0xa5: {  	s26 =	simm.s32 $execute0_lowered;
	[smem:$0x3FD2] =	sst s25  }
0xa6: {  	s4 =	sshll.u32 s26, $0x1;
	_ =	strace $0x80000046;
	[dreg:$0x1] =	wrdreg $0xFFFFFFFF  }
0xa7: {  	s28 =	simm.s32 $_size_execute0_lowered;
	s2 =	sadd.s32 s2, s4;
	[dreg:$0x0] =	wrdreg $0x0  }
0xa8: {  	s4 =	sshll.u32 s28, $0x1;
	[dreg:$0x2] =	wrdreg s2  }
0xa9: {  	[dreg:$0x3] =	wrdreg s4  }
0xaa: {  	[dreg:$0x4] =	wrdreg $0xC0  }
0xab: {  	_ =	task [dreg:s6], $0x5FFFF  }
0xac: {  	[dreg:$0x1] =	wrdreg $0xFFFFFFFF  }
0xad: {  	[dreg:$0x0] =	wrdreg $0x60  }
0xae: {  	[dreg:$0x2] =	wrdreg s24  }
0xaf: {  	[dreg:$0x3] =	wrdreg $0x9  }
0xb0: {  	_ =	task.clear_ibuf [dreg:s6], $0x4FFFF;
	_ =	strace $0x90000046  }
0xb1: {  	s29 =	simm.s32 $0x9;
	_ =	strace $0x80000048  }
0xb2: {  	_ =	swait.ge [sflag:s29], $0x1  }
0xb3: {  	[sflag:s29] =	ssyncadd.s32 $0xFFFFFFFF  }
0xb4: {  	_ =	strace $0x90000048  }
0xb5: {  	_ =	sfence  }
0xb6: {  	s30 =	sld [smem:$0x0];
	_ =	sdelay $0x2  }
0xb7: {  	s31 =	sshll.u32 s1, $0xD;
	s1 =	sshrl.u32 s1, $0x2  }
0xb8: {  	s3 =	sand.u32 $0x4000, s31;
	s1 =	sadd.s32 s1, s30  }
0xb9: {  	s0 =	sor.u32 s3, s0;
	s1 =	sshll.u32 s1, $0x11  }
0xba: {  	s0 =	sor.u32 s1, s0  }
0xbb: {  	s0 =	sadd.s32 $0x8F2B, s0  }
0xbc: {  	[sflag:s0] =	ssyncadd.remote.s32 $0x1  }
0xbd: {  	_ =	sfence.sel $0xFFFF  }
0xbe: {  	[dreg:$0x0] =	wrdreg $0xFFFFFFFF;
	(pc) =	sbr.abs _section_cstart, $3  }
0xbf: {  	[dreg:$0x1] =	wrdreg $0xFFFFFFFF  }
0xc0: {  	_ =	task.clear_ibuf [dreg:s6], $0x2FFFF;
	_ =	strace $0x9FFFFFFF  }
0xc1: {  	(tm) =	ssettm $0x7FFFFFFF  }
tec
execute0_lowered:
.L_overlay_start_1:
0x0: {  	(tag) =	ssettag $0x1  }
0x1: {  	s3 =	rddreg [dreg:$0x0]  }
0x2: {  	s0 =	rddreg [dreg:$0x1];
	s2 =	simm.s32 $0x0  }
0x3: {  	s4 =	srdreg.scid;
	s1 =	stileid.u32;
	s14 =	simm.s32 $0x4000  }
0x4: {  	s15 =	simm.s32 $0x4200;
	s16 =	simm.s32 $0x4400;
	s17 =	simm.s32 $0x4800  }
0x5: {  	s18 =	simm.s32 $0x0;
	[smem:$0x7FF] =	sst s2;
	s4 =	sand.u32 $0x1, s4  }
0x6: {  	v0 =	vimm.s32 $0xFEDCBA98;
	s5 =	sshll.u32 s1, $0x1;
	s8 =	sadd.s32 $0x200, s3;
	s6 =	sadd.s32 $0x1A00, s3  }
0x7: {  	v1 =	vimm.s32 $0x76543210;
	v2 =	vimm.s32 $0xBA98FEDC;
	s9 =	sshrl.u32 s1, $0x2;
	_ =	strace $0x80000047;
	s5 =	sor.u32 s4, s5  }
0x8: {  	v3 =	vimm.s32 $0x32107654;
	v4 =	vimm.s32 $0xDCFE98BA;
	s4 =	ssub.s32 $0x2, s4;
	s9 =	smul.u32 $0x3000, s9;
	s7 =	sshll.u32 s5, $0x4  }
0x9: {  	v5 =	vimm.s32 $0x54761032;
	v6 =	vimm.s32 $0xEFCDAB89;
	s10 =	sshrl.u32 s4, $0x1;
	s5 =	sshll.u32 s5, $0x9;
	s11 =	sadd.s32 s7, s3  }
0xa: {  	v7 =	vimm.s32 $0x67452301;
	v0 =	vunpack.c.l.s4.s8 v0;
	v1 =	vunpack.c.l.s4.s8 v1;
	s10 =	ssub.s32 s4, s10;
	s24 =	sand.u32 $0xE00, s5;
	s25 =	sshrl.u32 s9, $0x3  }
0xb: {  	v2 =	vunpack.c.l.s4.s8 v2;
	v3 =	vunpack.c.l.s4.s8 v3;
	v4 =	vunpack.c.l.s4.s8 v4;
	s12 =	sadd.s32 $0x1000, s9;
	s13 =	sadd.s32 $0x2000, s9;
	s3 =	sadd.s32 s6, s25  }
0xc: {  	v5 =	vunpack.c.l.s4.s8 v5;
	v6 =	vunpack.c.l.s4.s8 v6;
	v7 =	vunpack.c.l.s4.s8 v7;
	s26 =	sshrl.u32 s12, $0x3;
	s28 =	sshrl.u32 s13, $0x3;
	s29 =	sor.u32 s9, s24  }
0xd: {  	v0 =	vunpack.c.0.s8.s32 v0;
	v1 =	vunpack.c.0.s8.s32 v1;
	v2 =	vunpack.c.0.s8.s32 v2;
	s30 =	sor.u32 s12, s24;
	s7 =	sor.u32 s13, s24;
	s10 =	smax.u32 s10, $0x1  }
0xe: {  	v3 =	vunpack.c.0.s8.s32 v3;
	v4 =	vunpack.c.0.s8.s32 v4;
	v5 =	vunpack.c.0.s8.s32 v5;
	s12 =	simm.s32 $0x1000;
	s13 =	simm.s32 $0x2000;
	s4 =	sadd.s32 s6, s26  }
0xf: {  	v6 =	vunpack.c.0.s8.s32 v6;
	v7 =	vunpack.c.0.s8.s32 v7;
	v0 =	vand.u32 $0xF, v0;
	s5 =	sadd.s32 s6, s28;
	s6 =	sshrl.u32 s29, $0x3;
	s9 =	sshrl.u32 s30, $0x3  }
0x10: {  	s31 =	sshrl.u32 s7, $0x3;
	v0 =	vcombine.low v0, v1;
	v1 =	vcombine.low v3, v2;
	s6 =	sadd.s32 s8, s6;
	s7 =	sadd.s32 s8, s9  }
0x11: {  	vm0 =	vmmov $0x1;
	v2 =	vcombine.low v5, v4;
	v3 =	vcombine.low v7, v6;
	s8 =	sadd.s32 s8, s31;
	s9 =	sadd.s32 $0x3200, s11;
	s11 =	simm.s32 $0x1  }
.LBB2_1:
0x12: {  	[tilespmem:s2], [sflag:$0x1] =	stream.linear.gather [hbm4b:s3+s2], $0x1000, $0x38;
	[tilespmem:$0x4880] =	vst v63  }
0x13: {  	_ =	swait.ge [sflag:s11], $0x1000  }
0x14: {  	[sflag:s11] =	ssyncset.done $0x0  }
0x15: {  	[sflag:s11] =	ssyncadd.s32 $0xFFFFF000  }
0x16: {  	[tilespmem:s12], [sflag:$0x1] =	stream.linear.gather [hbm4b:s4+s2], $0x1000, $0x38;
	[tilespmem:$0x4880] =	vst v63  }
0x17: {  	_ =	swait.ge [sflag:s11], $0x1000  }
0x18: {  	[sflag:s11] =	ssyncset.done $0x0  }
0x19: {  	[sflag:s11] =	ssyncadd.s32 $0xFFFFF000  }
0x1a: {  	[tilespmem:s13], [sflag:$0x1] =	stream.linear.gather [hbm4b:s5+s2], $0x1000, $0x38;
	[tilespmem:$0x4880] =	vst v63  }
0x1b: {  	_ =	swait.ge [sflag:s11], $0x1000  }
0x1c: {  	[sflag:s11] =	ssyncset.done $0x0  }
0x1d: {  	[sflag:s11] =	ssyncadd.s32 $0xFFFFF000  }
0x1e: {  	[tilespmem:s14], [sflag:$0x1] =	stream.linear.gather [hbm4b:s6+s2], $0x200, $0x38;
	[tilespmem:$0x4880] =	vst v63  }
0x1f: {  	_ =	swait.ge [sflag:s11], $0x200  }
0x20: {  	[sflag:s11] =	ssyncset.done $0x0  }
0x21: {  	[sflag:s11] =	ssyncadd.s32 $0xFFFFFE00  }
0x22: {  	[tilespmem:s15], [sflag:$0x1] =	stream.linear.gather [hbm4b:s7+s2], $0x200, $0x38;
	[tilespmem:$0x4880] =	vst v63  }
0x23: {  	_ =	swait.ge [sflag:s11], $0x200  }
0x24: {  	[sflag:s11] =	ssyncset.done $0x0  }
0x25: {  	[sflag:s11] =	ssyncadd.s32 $0xFFFFFE00  }
0x26: {  	[tilespmem:s16], [sflag:$0x1] =	stream.linear.gather [hbm4b:s8+s2], $0x200, $0x38;
	[tilespmem:$0x4880] =	vst v63  }
0x27: {  	_ =	swait.ge [sflag:s11], $0x200  }
0x28: {  	[sflag:s11] =	ssyncset.done $0x0  }
0x29: {  	s19 =	simm.s32 $0x0;
	[sflag:s11] =	ssyncadd.s32 $0xFFFFFE00  }
0x2a: {  	v4 =	vld [tilespmem:s19+$0x0];
	_ =	sdelay $0x1  }
0x2b: {  	v5 =	vld [tilespmem:s19+$0x1000]  }
0x2c: {  	v6 =	vld [tilespmem:s19+$0x2000];
	_ =	sdelay $0x1  }
0x2d: {  	v7 =	vmul.f32 $6.553700000e+04, v4;
	_ =	sdelay $0x1  }
0x2e: {  	v8 =	vmul.f32 $6.553700000e+04, v5;
	v9 =	vsub.f32 v7, v4  }
0x2f: {  	v10 =	vmul.f32 $6.553700000e+04, v6;
	v62 =	vmul.f32 v4, v4  }
0x30: {  	v11 =	vsub.f32 v8, v5;
	v5 =	vmul.f32 v5, v5;
	v7 =	vsub.f32 v7, v9  }
0x31: {  	v12 =	vsub.f32 v10, v6  }
0x32: {  	v6 =	vmul.f32 v6, v6;
	v8 =	vsub.f32 v8, v11;
	[tilespmem:s19+$0x0] =	vst v7;
	v7 =	vadd.f32 v5, v62  }
0x33: {  	s20 =	simm.s32 $0x10;
	v63 =	vsub.f32 v10, v12  }
0x34: {  	v4 =	vld [tilespmem:s20+$0x0];
	[tilespmem:s19+$0x1000] =	vst v8;
	v6 =	vadd.f32 v6, v7  }
0x35: {  	s21 =	simm.s32 $0x80;
	v5 =	vld [tilespmem:s20+$0x1000];
	[tilespmem:s19+$0x2000] =	vst v63  }
.LBB2_2:
0x36: {  	p0 =	sne.s32 s21, $0x3FC0;
	v7 =	vld [tilespmem:s20+$0x2000];
	[tilespmem:s19+$0x3000] =	vst v6;
	s19 =	smov.u32 s20;
	_ =	sdelay $0x2  }
0x37: {  	v6 =	vmul.f32 v4, v4;
	v8 =	vmul.f32 $6.553700000e+04, v4  }
0x38: {  	v9 =	vmul.f32 v5, v5;
	v10 =	vmul.f32 $6.553700000e+04, v5  }
0x39: {  	v11 =	vmul.f32 v7, v7;
	v4 =	vsub.f32 v8, v4;
	v12 =	vmul.f32 $6.553700000e+04, v7  }
0x3a: {  	v6 =	vadd.f32 v9, v6;
	v5 =	vsub.f32 v10, v5  }
.Ltmp0:
0x3b: {  	v4 =	vsub.f32 v8, v4;
	v7 =	vsub.f32 v12, v7;
	(pc) =	sbr.rel @p0 .LBB2_2-.Ltmp0, $4  }
0x3c: {  	v6 =	vadd.f32 v11, v6;
	v5 =	vsub.f32 v10, v5  }
0x3d: {  	s20 =	sshra.s32 s21, $0x2;
	[tilespmem:s19+$0x0] =	vst v4;
	v7 =	vsub.f32 v12, v7  }
0x3e: {  	v4 =	vld [tilespmem:s20+$0x0];
	[tilespmem:s19+$0x1000] =	vst v5  }
0x3f: {  	s21 =	sadd.s32 $0x40, s21;
	v5 =	vld [tilespmem:s20+$0x1000];
	[tilespmem:s19+$0x2000] =	vst v7  }
0x40: {  	v7 =	vld [tilespmem:s20+$0x2000];
	_ =	sdelay $0x2  }
0x41: {  	v8 =	vmul.f32 $6.553700000e+04, v4  }
0x42: {  	v9 =	vmul.f32 $6.553700000e+04, v5  }
0x43: {  	v10 =	vsub.f32 v8, v4;
	v11 =	vmul.f32 $6.553700000e+04, v7  }
0x44: {  	v12 =	vmul.f32 v5, v5;
	v4 =	vmul.f32 v4, v4;
	v5 =	vsub.f32 v9, v5  }
0x45: {  	v8 =	vsub.f32 v8, v10;
	v63 =	vsub.f32 v11, v7  }
0x46: {  	[tilespmem:s19+$0x3000] =	vst v6;
	v6 =	vmul.f32 v7, v7;
	v4 =	vadd.f32 v12, v4;
	v5 =	vsub.f32 v9, v5  }
0x47: {  	p1 =	por $0x1, $0x1;
	[tilespmem:s20+$0x0] =	vst v8;
	v7 =	vsub.f32 v11, v63  }
.Ltmp1:
0x48: {  	v4 =	vadd.f32 v6, v4;
	[tilespmem:s20+$0x1000] =	vst v5;
	(pc) =	sbr.rel @!p1 .LBB2_4-.Ltmp1, $4  }
0x49: {  	[tilespmem:s20+$0x2000] =	vst v7  }
0x4a: {  	[tilespmem:s20+$0x3000] =	vst v4;
	s20 =	simm.s32 $0x0  }
0x4b: {  	v4 =	vld [tilespmem:s20+$0x4000]  }
0x4c: {  	s19 =	simm.s32 $0x0;
	p0 =	por $0x0, $0x0;
	v5 =	vld [tilespmem:s20+$0x4200]  }
0x4d: {  	_ = 	snop  }
0x4e: {  	v6 =	vld [tilespmem:s20+$0x4400];
	_ =	sdelay $0x1  }
0x4f: {  	v7 =	vmul.f32 $6.553700000e+04, v4;
	_ =	sdelay $0x1  }
0x50: {  	v8 =	vmul.f32 $6.553700000e+04, v5;
	v9 =	vsub.f32 v7, v4  }
0x51: {  	v62 =	vmul.f32 v4, v4;
	v10 =	vmul.f32 $6.553700000e+04, v6  }
0x52: {  	p1 =	por $0x1, $0x1;
	v11 =	vsub.f32 v8, v5;
	v5 =	vmul.f32 v5, v5;
	v7 =	vsub.f32 v7, v9  }
.Ltmp2:
0x53: {  	v12 =	vsub.f32 v10, v6;
	(pc) =	sbr.rel @!p1 .LBB2_7-.Ltmp2, $4  }
0x54: {  	v6 =	vmul.f32 v6, v6;
	v8 =	vsub.f32 v8, v11;
	[tilespmem:s20+$0x4000] =	vst v7;
	v7 =	vadd.f32 v5, v62  }
0x55: {  	s21 =	simm.s32 $0x10;
	v63 =	vsub.f32 v10, v12  }
0x56: {  	v4 =	vld [tilespmem:s21+$0x4000];
	[tilespmem:s20+$0x4200] =	vst v8;
	v6 =	vadd.f32 v6, v7  }
0x57: {  	s22 =	simm.s32 $0x80;
	p0 =	por $0x1, $0x1;
	v5 =	vld [tilespmem:s21+$0x4200];
	[tilespmem:s20+$0x4400] =	vst v63  }
.LBB2_6:
0x58: {  	p1 =	sne.s32 s22, $0x7C0;
	v7 =	vld [tilespmem:s21+$0x4400];
	[tilespmem:s20+$0x4600] =	vst v6;
	s20 =	smov.u32 s21;
	_ =	sdelay $0x2  }
0x59: {  	v6 =	vmul.f32 v4, v4;
	v8 =	vmul.f32 $6.553700000e+04, v4  }
0x5a: {  	v9 =	vmul.f32 v5, v5;
	v10 =	vmul.f32 $6.553700000e+04, v5  }
0x5b: {  	v11 =	vmul.f32 v7, v7;
	v4 =	vsub.f32 v8, v4;
	v12 =	vmul.f32 $6.553700000e+04, v7  }
0x5c: {  	v6 =	vadd.f32 v9, v6;
	v5 =	vsub.f32 v10, v5  }
.Ltmp3:
0x5d: {  	v4 =	vsub.f32 v8, v4;
	v7 =	vsub.f32 v12, v7;
	(pc) =	sbr.rel @p1 .LBB2_6-.Ltmp3, $4  }
0x5e: {  	v6 =	vadd.f32 v11, v6;
	v5 =	vsub.f32 v10, v5  }
0x5f: {  	s21 =	sshra.s32 s22, $0x2;
	[tilespmem:s20+$0x4000] =	vst v4;
	v7 =	vsub.f32 v12, v7  }
0x60: {  	v4 =	vld [tilespmem:s21+$0x4000];
	[tilespmem:s20+$0x4200] =	vst v5  }
0x61: {  	s22 =	sadd.s32 $0x40, s22;
	v5 =	vld [tilespmem:s21+$0x4200];
	[tilespmem:s20+$0x4400] =	vst v7  }
.LBB2_7:
0x62: {  	v7 =	vld [tilespmem:s21+$0x4400];
	_ =	sdelay $0x2  }
0x63: {  	v8 =	vmul.f32 $6.553700000e+04, v4  }
0x64: {  	v9 =	vmul.f32 $6.553700000e+04, v5  }
0x65: {  	v10 =	vsub.f32 v8, v4;
	v11 =	vmul.f32 $6.553700000e+04, v7  }
0x66: {  	v12 =	vmul.f32 v5, v5;
	v4 =	vmul.f32 v4, v4;
	v5 =	vsub.f32 v9, v5  }
0x67: {  	v8 =	vsub.f32 v8, v10;
	v63 =	vsub.f32 v11, v7  }
0x68: {  	[tilespmem:s20+$0x4600] =	vst @p0 v6;
	v6 =	vmul.f32 v7, v7;
	v4 =	vadd.f32 v12, v4;
	v5 =	vsub.f32 v9, v5  }
0x69: {  	[tilespmem:s21+$0x4000] =	vst v8;
	v7 =	vsub.f32 v11, v63  }
0x6a: {  	v4 =	vadd.f32 v6, v4;
	[tilespmem:s21+$0x4200] =	vst v5  }
0x6b: {  	[tilespmem:s21+$0x4400] =	vst v7  }
0x6c: {  	[tilespmem:s21+$0x4600] =	vst v4;
	v4 =	vimm.f32 $0.0e+00  }
.LBB2_8:
0x6d: {  	s20 =	sshll.u32 s19, $0x4  }
0x6e: {  	v5 =	vld [tilespmem:s20+$0x4000]  }
0x6f: {  	v6 =	vld [tilespmem:s20+$0x4200]  }
0x70: {  	v7 =	vld [tilespmem:s20+$0x4400]  }
0x71: {  	v8 =	vld [tilespmem:s20+$0x4600];
	s20 =	simm.s32 $0x0  }
.LBB2_9:
0x72: {  	s22 =	simm.s32 $0x0  }
0x73: {  	v9 =	vmov s20;
	v12 =	vld [tilespmem:s22+$0x0]  }
0x74: {  	v9 =	vand.u32 $0xF, v9;
	v13 =	vld [tilespmem:s22+$0x1000]  }
0x75: {  	v16 =	vld [tilespmem:s22+$0x2000];
	v14 =	vbroadcast v9, $0x0;
	_ =	sdelay $0x1  }
0x76: {  	s21 =	simm.s32 $0x10;
	v10 =	vperm.xlane v5, v14;
	v11 =	vperm.xlane v6, v14  }
0x77: {  	v15 =	vld [tilespmem:s21+$0x0];
	v9 =	vperm.xlane v7, v14  }
0x78: {  	v12 =	vmul.f32 v12, v10;
	v17 =	vmul.f32 v13, v11;
	v13 =	vld [tilespmem:s22+$0x3000]  }
0x79: {  	v19 =	vmul.f32 v16, v9;
	v16 =	vld [tilespmem:s21+$0x1000]  }
0x7a: {  	v18 =	vadd.f32 v17, v12  }
0x7b: {  	v14 =	vperm.xlane v8, v14;
	v17 =	vld [tilespmem:s21+$0x2000]  }
0x7c: {  	s22 =	simm.s32 $0x80;
	v12 =	vimm.f32 $+Inf;
	v18 =	vadd.f32 v19, v18  }
.LBB2_10:
0x7d: {  	v19 =	vadd.f32 v13, v14;
	v13 =	vld [tilespmem:s21+$0x3000];
	s21 =	sshra.s32 s22, $0x2;
	p0 =	sne.s32 s22, $0x3FC0  }
.Ltmp4:
0x7e: {  	s22 =	sadd.s32 $0x40, s22;
	v20 =	vmul.f32 v15, v10;
	v15 =	vld [tilespmem:s21+$0x0];
	v21 =	vmul.f32 v16, v11;
	v18 =	vadd.f32 v18, v18;
	(pc) =	sbr.rel @p0 .LBB2_10-.Ltmp4, $4  }
0x7f: {  	v16 =	vld [tilespmem:s21+$0x1000]  }
0x80: {  	v20 =	vadd.f32 v21, v20;
	v21 =	vmul.f32 v17, v9;
	v19 =	vsub.f32 v19, v18  }
0x81: {  	v17 =	vld [tilespmem:s21+$0x2000]  }
0x82: {  	v18 =	vadd.f32 v21, v20;
	v12 =	vmin.f32 v12, v19  }
0x83: {  	_ = 	snop  }
0x84: {  	v10 =	vmul.f32 v15, v10;
	v11 =	vmul.f32 v16, v11  }
0x85: {  	v62 =	vld [tilespmem:s21+$0x3000]  }
0x86: {  	v10 =	vadd.f32 v11, v10;
	v9 =	vmul.f32 v17, v9;
	_ =	sdelay $0x1  }
0x87: {  	v9 =	vadd.f32 v9, v10  }
0x88: {  	v11 =	vadd.f32 v18, v18;
	v10 =	vadd.f32 v13, v14  }
0x89: {  	v63 =	vadd.f32 v62, v14;
	v9 =	vadd.f32 v9, v9  }
0x8a: {  	v10 =	vsub.f32 v10, v11  }
0x8b: {  	v9 =	vsub.f32 v63, v9  }
0x8c: {  	v10 =	vmin.f32 v12, v10  }
0x8d: {  	v9 =	vmin.f32 v10, v9  }
0x8e: {  	v10 =	vperm.xlane v9, v0;
	_ =	sdelay $0x1  }
0x8f: {  	v9 =	vmin.f32 v9, v10  }
0x90: {  	v10 =	vperm.xlane v9, v1;
	_ =	sdelay $0x1  }
0x91: {  	v9 =	vmin.f32 v9, v10  }
0x92: {  	s20 =	sadd.s32 $0x1, s20;
	v10 =	vperm.xlane v9, v2  }
0x93: {  	p0 =	sne.s32 s20, $0x10  }
.Ltmp5:
0x94: {  	v9 =	vmin.f32 v9, v10;
	(pc) =	sbr.rel @p0 .LBB2_9-.Ltmp5, $3  }
0x95: {  	v10 =	vperm.xlane v9, v3;
	_ =	sdelay $0x1  }
0x96: {  	v9 =	vmin.f32 v9, v10  }
0x97: {  	v4 =	vadd.f32 v9, v4  }
0x98: {  	s19 =	sadd.s32 $0x1, s19  }
0x99: {  	p0 =	sne.s32 s19, $0x20  }
.Ltmp6:
0x9a: {  	_ = 	snop;
	(pc) =	sbr.rel @p0 .LBB2_8-.Ltmp6, $1  }
0x9b: {  	_ =	sdelay $0x3  }
0x9c: {  	v4 =	vnsel vm0, $0x0, v4;
	s18 =	sadd.s32 $0x1, s18  }
0x9d: {  	[tilespmem:$0x4800] =	vst v4;
	p0 =	sne.s32 s18, s10  }
0x9e: {  	[hbm4b:s9+s2] =	stream.linear.scatter [tilespmem:s17], [sflag:$0x1], $0x80, $0x38;
	[tilespmem:$0x4880] =	vst v63  }
.Ltmp7:
0x9f: {  	_ = 	snop;
	(pc) =	sbr.rel @p0 .LBB2_1-.Ltmp7, $4  }
.Ltmp8:
0xa0: {  	_ = 	snop;
	(pc) =	sbr.rel @!p0 .LBB2_14-.Ltmp8, $4  }
0xa1: {  	_ =	swait.ge [sflag:s11], $0x80  }
0xa2: {  	[sflag:s11] =	ssyncset.done $0x0  }
0xa3: {  	[sflag:s11] =	ssyncadd.s32 $0xFFFFFF80  }
0xa4: {  	_ = 	snop  }
.LBB2_4:
.Ltmp9:
0xa5: {  	(pc) =	sbr.rel .LBB2_7-.Ltmp9, $2  }
0xa6: {  	_ =	sdelay $0x2  }
0xa7: {  	s21 =	simm.s32 $0x0  }
.LBB2_14:
0xa8: {  	_ =	sfence.sel $0x180000  }
0xa9: {  	[bflag:$0x0] =	sbarrier.arrive $0xFFFF  }
0xaa: {  	p0 =	sne.s32 s1, $0x0;
	_ =	strace $0x90000047  }
0xab: {  	s0 =	sadd.s32 @!p0 $0x100000, s0;
	[bflag:$0x2] =	sbarrier.arrive $0xFFFF  }
0xac: {  	[sflag:s0] =	ssyncadd.tile.s32 @!p0 $0x1;
	_ =	shalt  }
.Lfunc_end2:
_tile_overlayer_lowered:
.L_overlay_start_2:
0xad: {  	(tag) =	ssettag $0x2  }
0xae: {  	s0 =	rddreg [dreg:$0x0];
	s2 =	stileid.u32  }
0xaf: {  	s1 =	rddreg [dreg:$0x1];
	p0 =	sne.s32 s2, $0x0  }
0xb0: {  	s3 =	rddreg [dreg:$0x2];
	[bflag:$0x3] =	sbarrier.arrive $0xFFFF;
	s2 =	simm.s32 @!p0 $0x1C01  }
0xb1: {  	[timem:s3], [sflag:s2] =	dma.local @!p0 [hbm:s0], s1  }
0xb2: {  	s0 =	simm.s32 @!p0 $0x1  }
0xb3: {  	_ =	swait.ge @!p0 [sflag:s0], s1  }
0xb4: {  	s1 =	ssub.s32 @!p0 $0x0, s1;
	[sflag:s0] =	ssyncset.done @!p0 $0x0  }
0xb5: {  	[sflag:s0] =	ssyncadd.s32 @!p0 s1  }
0xb6: {  	[bflag:$0x3] =	sbarrier.arrive $0xFFFF  }
0xb7: {  	_ =	shalt  }

</sc_bundles>
